<compile_context>
chip_gen: v7x
topology: tpu7x:2x2x1
jax: 0.10.2.dev20260603
libtpu: 0.0.44.dev20260713+nightly
codegen_flags: <defaults>
</compile_context>

<pallas_src>
import functools

import jax
import jax.numpy as jnp
from jax import lax
from jax.experimental import pallas as pl
from jax.experimental.pallas import tpu as pltpu
from jax.experimental.pallas import tpu_sc as plsc

CHANNEL = 7
ROWS = 16384 * 100
LANES = 128
NUM_WORKERS = 32
ROWS_PER_WORKER = ROWS // NUM_WORKERS
VLEN = 16
NUM_CHUNKS = 4
CHUNK = ROWS_PER_WORKER // NUM_CHUNKS
VECS_PER_CHUNK = CHUNK // VLEN

_MESH = plsc.VectorSubcoreMesh(core_axis_name="c", subcore_axis_name="s")


@functools.partial(
    pl.kernel,
    mesh=_MESH,
    out_type=jax.ShapeDtypeStruct((ROWS,), jnp.float32),
    scratch_types=[
        pltpu.VMEM((ROWS_PER_WORKER,), jnp.int32),
        pltpu.VMEM((ROWS_PER_WORKER,), jnp.float32),
        pltpu.SemaphoreType.DMA,
        pltpu.SemaphoreType.DMA,
    ],
    compiler_params=pltpu.CompilerParams(use_tc_tiling_on_sc=False),
)
def _channel_gather(x_hbm, out_hbm, idx_v, vals_v, gsem, wsem):
    wid = lax.axis_index("s") * 2 + lax.axis_index("c")
    base = wid * ROWS_PER_WORKER
    lane = lax.iota(jnp.int32, 16)
    first = (base + lane) * LANES + CHANNEL

    def fill(c, vec):
        def body(j, v):
            idx_v[pl.ds(pl.multiple_of(c * CHUNK + j * VLEN, VLEN), VLEN)] = v
            return v + VLEN * LANES

        return lax.fori_loop(0, VECS_PER_CHUNK, body, vec)

    vec = first
    copies = []
    for c in range(NUM_CHUNKS):
        vec = fill(c, vec)
        cp = pltpu.make_async_copy(
            x_hbm.at[idx_v.at[pl.ds(c * CHUNK, CHUNK)]],
            vals_v.at[pl.ds(c * CHUNK, CHUNK)],
            gsem,
        )
        cp.start()
        copies.append(cp)

    wbs = []
    for c in range(NUM_CHUNKS):
        copies[c].wait()
        wb = pltpu.make_async_copy(
            vals_v.at[pl.ds(c * CHUNK, CHUNK)],
            out_hbm.at[pl.ds(base + c * CHUNK, CHUNK)],
            wsem,
        )
        wb.start()
        wbs.append(wb)
    for wb in wbs:
        wb.wait()


def kernel(inputs):
    x = jnp.transpose(inputs, (1, 0, 2)).reshape(ROWS * LANES)
    out = _channel_gather(x)
    return out.reshape(100, 16384, 1).transpose(1, 0, 2)

# --- scband reference (transcript-rebuilt; emitter-appended) ---
"""Pipeline reference for scband-channel-gather-27556510171778 (READ-ONLY COPY).

The authoritative reference and input builder live on the scoring server;
editing this copy changes nothing except your own understanding.
"""

import jax, jax.numpy as jnp
import numpy as np

CHANNEL = 7

def setup_inputs(seed: int = 0) -> dict:
    key = jax.random.key(seed)
    inputs = jax.random.normal(key, (16384, 100, 128), dtype=jnp.float32)
    return {"inputs": inputs}

def reference(inputs):
    # tf.gather(x, indices=channel, axis=-1) with scalar indices drops the axis
    x = jnp.take(inputs, CHANNEL, axis=-1)
    # tf.expand_dims(x, -1)
    return jnp.expand_dims(x, -1)

if __name__ == "__main__":
    import jax
    _d = setup_inputs()
    print(jax.jit(kernel)(*tuple(_d.values())))

</pallas_src>

<mosaic_0001>
#map = affine_map<(d0, d1) -> (0)>
module attributes {stable_mosaic.version = 14 : i64} {
  func.func @_channel_gather(%arg0: i32, %arg1: i32, %arg2: memref<209715200xf32, #tpu.memory_space<hbm>>, %arg3: memref<1638400xf32, #tpu.memory_space<hbm>>, %arg4: memref<51200xi32, #tpu.memory_space<vmem>>, %arg5: memref<51200xf32, #tpu.memory_space<vmem>>, %arg6: memref<!tpu.dma_semaphore, #tpu.memory_space<semaphore_mem>>, %arg7: memref<!tpu.dma_semaphore, #tpu.memory_space<semaphore_mem>>) attributes {dimension_semantics = [#tpu.dimension_semantics<core_parallel>, #tpu.dimension_semantics<subcore_parallel>], iteration_bounds = array<i64: 2, 16>, scalar_prefetch = 0 : i64, scratch_operands = 4 : i64, tpu.core_type = #tpu.core_type<sc_vector_subcore>, window_params = [{transform_indices = #map}, {transform_indices = #map}]} {
    %mul3A = arith.constant 2 : i32
    %mul3A_0 = arith.muli %arg1, %mul3A : i32
    %add3A = arith.addi %mul3A_0, %arg0 : i32
    %mul3A_1 = arith.constant 51200 : i32
    %mul3A_2 = arith.muli %add3A, %mul3A_1 : i32
    %iota3A = tpu.iota {dimensions = array<i32: 0>} : vector<16xi32>
    %add3A_3 = vector.broadcast %mul3A_2 : i32 to vector<16xi32>
    %add3A_4 = arith.addi %add3A_3, %iota3A : vector<16xi32>
    %mul3A_5 = arith.constant 128 : i32
    %mul3A_6 = vector.broadcast %mul3A_5 : i32 to vector<16xi32>
    %mul3A_7 = arith.muli %add3A_4, %mul3A_6 : vector<16xi32>
    %add3A_8 = arith.constant 7 : i32
    %add3A_9 = vector.broadcast %add3A_8 : i32 to vector<16xi32>
    %add3A_10 = arith.addi %mul3A_7, %add3A_9 : vector<16xi32>
    %scan3A = arith.constant 0 : i32
    %scan3A_11 = arith.constant 800 : i32
    %scan3A_12 = arith.addi %scan3A, %scan3A_11 : i32
    %scan3A_13 = arith.constant 1 : i32
    %scan3A_14 = scf.for %scan3A_136 = %scan3A to %scan3A_12 step %scan3A_13 iter_args(%scan3A_137 = %add3A_10) -> (vector<16xi32>)  : i32 {
      %mul3A_138 = arith.constant 16 : i32
      %mul3A_139 = arith.muli %scan3A_136, %mul3A_138 : i32
      %add3A_140 = arith.constant 0 : i32
      %add3A_141 = arith.addi %add3A_140, %mul3A_139 : i32
      %multiple_of3A = tpu.assume_multiple %add3A_141, 16 : i32
      %swap3A = arith.index_cast %multiple_of3A : i32 to index
      %swap3A_142 = tpu.vector_load %arg4[%swap3A] {strides = array<i32>} : memref<51200xi32, #tpu.memory_space<vmem>>, vector<16xi32>,
      %swap3A_143 = vector.shape_cast %swap3A_142 : vector<16xi32> to vector<16xi32>
      %swap3A_144 = vector.shape_cast %scan3A_137 : vector<16xi32> to vector<16xi32>
      tpu.vector_store %arg4[%swap3A], %swap3A_144 {strides = array<i32>} : memref<51200xi32, #tpu.memory_space<vmem>>, vector<16xi32>,
      %add3A_145 = arith.constant 2048 : i32
      %add3A_146 = vector.broadcast %add3A_145 : i32 to vector<16xi32>
      %add3A_147 = arith.addi %scan3A_137, %add3A_146 : vector<16xi32>
      scf.yield %add3A_147 : vector<16xi32>
    }
    %scan3A_15 = arith.constant 800 : i32
    %dma_start3A = arith.constant 0 : i32
    %dma_start3A_16 = tpu.memref_slice %arg5[%dma_start3A] : memref<51200xf32, #tpu.memory_space<vmem>> -> memref<12800xf32, #tpu.memory_space<vmem>>
    %dma_start3A_17 = arith.constant 0 : i32
    %dma_start3A_18 = tpu.memref_slice %arg4[%dma_start3A_17] : memref<51200xi32, #tpu.memory_space<vmem>> -> memref<12800xi32, #tpu.memory_space<vmem>>
    %dma_start3A_19 = arith.constant 0 : i32
    %dma_start3A_20 = tpu.memref_slice %arg2[%dma_start3A_19] : memref<209715200xf32, #tpu.memory_space<hbm>> -> memref<209715200xf32, #tpu.memory_space<hbm>>
    tpu.enqueue_indirect_dma source(%dma_start3A_20 : memref<209715200xf32, #tpu.memory_space<hbm>>) target(%dma_start3A_16 : memref<12800xf32, #tpu.memory_space<vmem>>) offsets(%dma_start3A_18 : memref<12800xi32, #tpu.memory_space<vmem>>) semaphore(%arg6 : memref<!tpu.dma_semaphore, #tpu.memory_space<semaphore_mem>>)
    %scan3A_21 = arith.constant 0 : i32
    %scan3A_22 = arith.constant 800 : i32
    %scan3A_23 = arith.addi %scan3A_21, %scan3A_22 : i32
    %scan3A_24 = arith.constant 1 : i32
    %scan3A_25 = scf.for %scan3A_136 = %scan3A_21 to %scan3A_23 step %scan3A_24 iter_args(%scan3A_137 = %scan3A_14) -> (vector<16xi32>)  : i32 {
      %mul3A_138 = arith.constant 16 : i32
      %mul3A_139 = arith.muli %scan3A_136, %mul3A_138 : i32
      %add3A_140 = arith.constant 12800 : i32
      %add3A_141 = arith.addi %add3A_140, %mul3A_139 : i32
      %multiple_of3A = tpu.assume_multiple %add3A_141, 16 : i32
      %swap3A = arith.index_cast %multiple_of3A : i32 to index
      %swap3A_142 = tpu.vector_load %arg4[%swap3A] {strides = array<i32>} : memref<51200xi32, #tpu.memory_space<vmem>>, vector<16xi32>,
      %swap3A_143 = vector.shape_cast %swap3A_142 : vector<16xi32> to vector<16xi32>
      %swap3A_144 = vector.shape_cast %scan3A_137 : vector<16xi32> to vector<16xi32>
      tpu.vector_store %arg4[%swap3A], %swap3A_144 {strides = array<i32>} : memref<51200xi32, #tpu.memory_space<vmem>>, vector<16xi32>,
      %add3A_145 = arith.constant 2048 : i32
      %add3A_146 = vector.broadcast %add3A_145 : i32 to vector<16xi32>
      %add3A_147 = arith.addi %scan3A_137, %add3A_146 : vector<16xi32>
      scf.yield %add3A_147 : vector<16xi32>
    }
    %scan3A_26 = arith.constant 800 : i32
    %dma_start3A_27 = arith.constant 12800 : i32
    %dma_start3A_28 = tpu.memref_slice %arg5[%dma_start3A_27] : memref<51200xf32, #tpu.memory_space<vmem>> -> memref<12800xf32, #tpu.memory_space<vmem>>
    %dma_start3A_29 = arith.constant 12800 : i32
    %dma_start3A_30 = tpu.memref_slice %arg4[%dma_start3A_29] : memref<51200xi32, #tpu.memory_space<vmem>> -> memref<12800xi32, #tpu.memory_space<vmem>>
    %dma_start3A_31 = arith.constant 0 : i32
    %dma_start3A_32 = tpu.memref_slice %arg2[%dma_start3A_31] : memref<209715200xf32, #tpu.memory_space<hbm>> -> memref<209715200xf32, #tpu.memory_space<hbm>>
    tpu.enqueue_indirect_dma source(%dma_start3A_32 : memref<209715200xf32, #tpu.memory_space<hbm>>) target(%dma_start3A_28 : memref<12800xf32, #tpu.memory_space<vmem>>) offsets(%dma_start3A_30 : memref<12800xi32, #tpu.memory_space<vmem>>) semaphore(%arg6 : memref<!tpu.dma_semaphore, #tpu.memory_space<semaphore_mem>>)
    %scan3A_33 = arith.constant 0 : i32
    %scan3A_34 = arith.constant 800 : i32
    %scan3A_35 = arith.addi %scan3A_33, %scan3A_34 : i32
    %scan3A_36 = arith.constant 1 : i32
    %scan3A_37 = scf.for %scan3A_136 = %scan3A_33 to %scan3A_35 step %scan3A_36 iter_args(%scan3A_137 = %scan3A_25) -> (vector<16xi32>)  : i32 {
      %mul3A_138 = arith.constant 16 : i32
      %mul3A_139 = arith.muli %scan3A_136, %mul3A_138 : i32
      %add3A_140 = arith.constant 25600 : i32
      %add3A_141 = arith.addi %add3A_140, %mul3A_139 : i32
      %multiple_of3A = tpu.assume_multiple %add3A_141, 16 : i32
      %swap3A = arith.index_cast %multiple_of3A : i32 to index
      %swap3A_142 = tpu.vector_load %arg4[%swap3A] {strides = array<i32>} : memref<51200xi32, #tpu.memory_space<vmem>>, vector<16xi32>,
      %swap3A_143 = vector.shape_cast %swap3A_142 : vector<16xi32> to vector<16xi32>
      %swap3A_144 = vector.shape_cast %scan3A_137 : vector<16xi32> to vector<16xi32>
      tpu.vector_store %arg4[%swap3A], %swap3A_144 {strides = array<i32>} : memref<51200xi32, #tpu.memory_space<vmem>>, vector<16xi32>,
      %add3A_145 = arith.constant 2048 : i32
      %add3A_146 = vector.broadcast %add3A_145 : i32 to vector<16xi32>
      %add3A_147 = arith.addi %scan3A_137, %add3A_146 : vector<16xi32>
      scf.yield %add3A_147 : vector<16xi32>
    }
    %scan3A_38 = arith.constant 800 : i32
    %dma_start3A_39 = arith.constant 25600 : i32
    %dma_start3A_40 = tpu.memref_slice %arg5[%dma_start3A_39] : memref<51200xf32, #tpu.memory_space<vmem>> -> memref<12800xf32, #tpu.memory_space<vmem>>
    %dma_start3A_41 = arith.constant 25600 : i32
    %dma_start3A_42 = tpu.memref_slice %arg4[%dma_start3A_41] : memref<51200xi32, #tpu.memory_space<vmem>> -> memref<12800xi32, #tpu.memory_space<vmem>>
    %dma_start3A_43 = arith.constant 0 : i32
    %dma_start3A_44 = tpu.memref_slice %arg2[%dma_start3A_43] : memref<209715200xf32, #tpu.memory_space<hbm>> -> memref<209715200xf32, #tpu.memory_space<hbm>>
    tpu.enqueue_indirect_dma source(%dma_start3A_44 : memref<209715200xf32, #tpu.memory_space<hbm>>) target(%dma_start3A_40 : memref<12800xf32, #tpu.memory_space<vmem>>) offsets(%dma_start3A_42 : memref<12800xi32, #tpu.memory_space<vmem>>) semaphore(%arg6 : memref<!tpu.dma_semaphore, #tpu.memory_space<semaphore_mem>>)
    %scan3A_45 = arith.constant 0 : i32
    %scan3A_46 = arith.constant 800 : i32
    %scan3A_47 = arith.addi %scan3A_45, %scan3A_46 : i32
    %scan3A_48 = arith.constant 1 : i32
    %scan3A_49 = scf.for %scan3A_136 = %scan3A_45 to %scan3A_47 step %scan3A_48 iter_args(%scan3A_137 = %scan3A_37) -> (vector<16xi32>)  : i32 {
      %mul3A_138 = arith.constant 16 : i32
      %mul3A_139 = arith.muli %scan3A_136, %mul3A_138 : i32
      %add3A_140 = arith.constant 38400 : i32
      %add3A_141 = arith.addi %add3A_140, %mul3A_139 : i32
      %multiple_of3A = tpu.assume_multiple %add3A_141, 16 : i32
      %swap3A = arith.index_cast %multiple_of3A : i32 to index
      %swap3A_142 = tpu.vector_load %arg4[%swap3A] {strides = array<i32>} : memref<51200xi32, #tpu.memory_space<vmem>>, vector<16xi32>,
      %swap3A_143 = vector.shape_cast %swap3A_142 : vector<16xi32> to vector<16xi32>
      %swap3A_144 = vector.shape_cast %scan3A_137 : vector<16xi32> to vector<16xi32>
      tpu.vector_store %arg4[%swap3A], %swap3A_144 {strides = array<i32>} : memref<51200xi32, #tpu.memory_space<vmem>>, vector<16xi32>,
      %add3A_145 = arith.constant 2048 : i32
      %add3A_146 = vector.broadcast %add3A_145 : i32 to vector<16xi32>
      %add3A_147 = arith.addi %scan3A_137, %add3A_146 : vector<16xi32>
      scf.yield %add3A_147 : vector<16xi32>
    }
    %scan3A_50 = arith.constant 800 : i32
    %dma_start3A_51 = arith.constant 38400 : i32
    %dma_start3A_52 = tpu.memref_slice %arg5[%dma_start3A_51] : memref<51200xf32, #tpu.memory_space<vmem>> -> memref<12800xf32, #tpu.memory_space<vmem>>
    %dma_start3A_53 = arith.constant 38400 : i32
    %dma_start3A_54 = tpu.memref_slice %arg4[%dma_start3A_53] : memref<51200xi32, #tpu.memory_space<vmem>> -> memref<12800xi32, #tpu.memory_space<vmem>>
    %dma_start3A_55 = arith.constant 0 : i32
    %dma_start3A_56 = tpu.memref_slice %arg2[%dma_start3A_55] : memref<209715200xf32, #tpu.memory_space<hbm>> -> memref<209715200xf32, #tpu.memory_space<hbm>>
    tpu.enqueue_indirect_dma source(%dma_start3A_56 : memref<209715200xf32, #tpu.memory_space<hbm>>) target(%dma_start3A_52 : memref<12800xf32, #tpu.memory_space<vmem>>) offsets(%dma_start3A_54 : memref<12800xi32, #tpu.memory_space<vmem>>) semaphore(%arg6 : memref<!tpu.dma_semaphore, #tpu.memory_space<semaphore_mem>>)
    %dma_wait3A = arith.constant 0 : i32
    %dma_wait3A_57 = tpu.memref_slice %arg5[%dma_wait3A] : memref<51200xf32, #tpu.memory_space<vmem>> -> memref<12800xf32, #tpu.memory_space<vmem>>
    %dma_wait3A_58 = arith.constant 0 : i32
    %dma_wait3A_59 = tpu.memref_slice %arg4[%dma_wait3A_58] : memref<51200xi32, #tpu.memory_space<vmem>> -> memref<12800xi32, #tpu.memory_space<vmem>>
    %dma_wait3A_60 = arith.constant 0 : i32
    %dma_wait3A_61 = tpu.memref_slice %arg2[%dma_wait3A_60] : memref<209715200xf32, #tpu.memory_space<hbm>> -> memref<209715200xf32, #tpu.memory_space<hbm>>
    tpu.wait_indirect_dma semaphore(%arg6 : memref<!tpu.dma_semaphore, #tpu.memory_space<semaphore_mem>>) src(%dma_wait3A_61 : memref<209715200xf32, #tpu.memory_space<hbm>>) dst(%dma_wait3A_57 : memref<12800xf32, #tpu.memory_space<vmem>>)
    %add3A_62 = arith.constant 0 : i32
    %add3A_63 = arith.addi %mul3A_2, %add3A_62 : i32
    %dma_start3A_64 = arith.constant 0 : i32
    %dma_start3A_65 = tpu.memref_slice %arg5[%dma_start3A_64] : memref<51200xf32, #tpu.memory_space<vmem>> -> memref<12800xf32, #tpu.memory_space<vmem>>
    %dma_start3A_66 = tpu.memref_slice %arg3[%add3A_63] : memref<1638400xf32, #tpu.memory_space<hbm>> -> memref<12800xf32, #tpu.memory_space<hbm>>
    %dma_start3A_67 = tpu.memref_slice %arg3[%add3A_63] : memref<1638400xf32, #tpu.memory_space<hbm>> -> memref<12800xf32, #tpu.memory_space<hbm>>
    %dma_start3A_68 = arith.constant 0 : i32
    %dma_start3A_69 = tpu.memref_slice %arg5[%dma_start3A_68] : memref<51200xf32, #tpu.memory_space<vmem>> -> memref<12800xf32, #tpu.memory_space<vmem>>
    tpu.enqueue_dma source(%dma_start3A_69 : memref<12800xf32, #tpu.memory_space<vmem>>) target(%dma_start3A_67 : memref<12800xf32, #tpu.memory_space<hbm>>) target_semaphore(%arg7 : memref<!tpu.dma_semaphore, #tpu.memory_space<semaphore_mem>>)
    %dma_wait3A_70 = arith.constant 12800 : i32
    %dma_wait3A_71 = tpu.memref_slice %arg5[%dma_wait3A_70] : memref<51200xf32, #tpu.memory_space<vmem>> -> memref<12800xf32, #tpu.memory_space<vmem>>
    %dma_wait3A_72 = arith.constant 12800 : i32
    %dma_wait3A_73 = tpu.memref_slice %arg4[%dma_wait3A_72] : memref<51200xi32, #tpu.memory_space<vmem>> -> memref<12800xi32, #tpu.memory_space<vmem>>
    %dma_wait3A_74 = arith.constant 0 : i32
    %dma_wait3A_75 = tpu.memref_slice %arg2[%dma_wait3A_74] : memref<209715200xf32, #tpu.memory_space<hbm>> -> memref<209715200xf32, #tpu.memory_space<hbm>>
    tpu.wait_indirect_dma semaphore(%arg6 : memref<!tpu.dma_semaphore, #tpu.memory_space<semaphore_mem>>) src(%dma_wait3A_75 : memref<209715200xf32, #tpu.memory_space<hbm>>) dst(%dma_wait3A_71 : memref<12800xf32, #tpu.memory_space<vmem>>)
    %add3A_76 = arith.constant 12800 : i32
    %add3A_77 = arith.addi %mul3A_2, %add3A_76 : i32
    %dma_start3A_78 = arith.constant 12800 : i32
    %dma_start3A_79 = tpu.memref_slice %arg5[%dma_start3A_78] : memref<51200xf32, #tpu.memory_space<vmem>> -> memref<12800xf32, #tpu.memory_space<vmem>>
    %dma_start3A_80 = tpu.memref_slice %arg3[%add3A_77] : memref<1638400xf32, #tpu.memory_space<hbm>> -> memref<12800xf32, #tpu.memory_space<hbm>>
    %dma_start3A_81 = tpu.memref_slice %arg3[%add3A_77] : memref<1638400xf32, #tpu.memory_space<hbm>> -> memref<12800xf32, #tpu.memory_space<hbm>>
    %dma_start3A_82 = arith.constant 12800 : i32
    %dma_start3A_83 = tpu.memref_slice %arg5[%dma_start3A_82] : memref<51200xf32, #tpu.memory_space<vmem>> -> memref<12800xf32, #tpu.memory_space<vmem>>
    tpu.enqueue_dma source(%dma_start3A_83 : memref<12800xf32, #tpu.memory_space<vmem>>) target(%dma_start3A_81 : memref<12800xf32, #tpu.memory_space<hbm>>) target_semaphore(%arg7 : memref<!tpu.dma_semaphore, #tpu.memory_space<semaphore_mem>>)
    %dma_wait3A_84 = arith.constant 25600 : i32
    %dma_wait3A_85 = tpu.memref_slice %arg5[%dma_wait3A_84] : memref<51200xf32, #tpu.memory_space<vmem>> -> memref<12800xf32, #tpu.memory_space<vmem>>
    %dma_wait3A_86 = arith.constant 25600 : i32
    %dma_wait3A_87 = tpu.memref_slice %arg4[%dma_wait3A_86] : memref<51200xi32, #tpu.memory_space<vmem>> -> memref<12800xi32, #tpu.memory_space<vmem>>
    %dma_wait3A_88 = arith.constant 0 : i32
    %dma_wait3A_89 = tpu.memref_slice %arg2[%dma_wait3A_88] : memref<209715200xf32, #tpu.memory_space<hbm>> -> memref<209715200xf32, #tpu.memory_space<hbm>>
    tpu.wait_indirect_dma semaphore(%arg6 : memref<!tpu.dma_semaphore, #tpu.memory_space<semaphore_mem>>) src(%dma_wait3A_89 : memref<209715200xf32, #tpu.memory_space<hbm>>) dst(%dma_wait3A_85 : memref<12800xf32, #tpu.memory_space<vmem>>)
    %add3A_90 = arith.constant 25600 : i32
    %add3A_91 = arith.addi %mul3A_2, %add3A_90 : i32
    %dma_start3A_92 = arith.constant 25600 : i32
    %dma_start3A_93 = tpu.memref_slice %arg5[%dma_start3A_92] : memref<51200xf32, #tpu.memory_space<vmem>> -> memref<12800xf32, #tpu.memory_space<vmem>>
    %dma_start3A_94 = tpu.memref_slice %arg3[%add3A_91] : memref<1638400xf32, #tpu.memory_space<hbm>> -> memref<12800xf32, #tpu.memory_space<hbm>>
    %dma_start3A_95 = tpu.memref_slice %arg3[%add3A_91] : memref<1638400xf32, #tpu.memory_space<hbm>> -> memref<12800xf32, #tpu.memory_space<hbm>>
    %dma_start3A_96 = arith.constant 25600 : i32
    %dma_start3A_97 = tpu.memref_slice %arg5[%dma_start3A_96] : memref<51200xf32, #tpu.memory_space<vmem>> -> memref<12800xf32, #tpu.memory_space<vmem>>
    tpu.enqueue_dma source(%dma_start3A_97 : memref<12800xf32, #tpu.memory_space<vmem>>) target(%dma_start3A_95 : memref<12800xf32, #tpu.memory_space<hbm>>) target_semaphore(%arg7 : memref<!tpu.dma_semaphore, #tpu.memory_space<semaphore_mem>>)
    %dma_wait3A_98 = arith.constant 38400 : i32
    %dma_wait3A_99 = tpu.memref_slice %arg5[%dma_wait3A_98] : memref<51200xf32, #tpu.memory_space<vmem>> -> memref<12800xf32, #tpu.memory_space<vmem>>
    %dma_wait3A_100 = arith.constant 38400 : i32
    %dma_wait3A_101 = tpu.memref_slice %arg4[%dma_wait3A_100] : memref<51200xi32, #tpu.memory_space<vmem>> -> memref<12800xi32, #tpu.memory_space<vmem>>
    %dma_wait3A_102 = arith.constant 0 : i32
    %dma_wait3A_103 = tpu.memref_slice %arg2[%dma_wait3A_102] : memref<209715200xf32, #tpu.memory_space<hbm>> -> memref<209715200xf32, #tpu.memory_space<hbm>>
    tpu.wait_indirect_dma semaphore(%arg6 : memref<!tpu.dma_semaphore, #tpu.memory_space<semaphore_mem>>) src(%dma_wait3A_103 : memref<209715200xf32, #tpu.memory_space<hbm>>) dst(%dma_wait3A_99 : memref<12800xf32, #tpu.memory_space<vmem>>)
    %add3A_104 = arith.constant 38400 : i32
    %add3A_105 = arith.addi %mul3A_2, %add3A_104 : i32
    %dma_start3A_106 = arith.constant 38400 : i32
    %dma_start3A_107 = tpu.memref_slice %arg5[%dma_start3A_106] : memref<51200xf32, #tpu.memory_space<vmem>> -> memref<12800xf32, #tpu.memory_space<vmem>>
    %dma_start3A_108 = tpu.memref_slice %arg3[%add3A_105] : memref<1638400xf32, #tpu.memory_space<hbm>> -> memref<12800xf32, #tpu.memory_space<hbm>>
    %dma_start3A_109 = tpu.memref_slice %arg3[%add3A_105] : memref<1638400xf32, #tpu.memory_space<hbm>> -> memref<12800xf32, #tpu.memory_space<hbm>>
    %dma_start3A_110 = arith.constant 38400 : i32
    %dma_start3A_111 = tpu.memref_slice %arg5[%dma_start3A_110] : memref<51200xf32, #tpu.memory_space<vmem>> -> memref<12800xf32, #tpu.memory_space<vmem>>
    tpu.enqueue_dma source(%dma_start3A_111 : memref<12800xf32, #tpu.memory_space<vmem>>) target(%dma_start3A_109 : memref<12800xf32, #tpu.memory_space<hbm>>) target_semaphore(%arg7 : memref<!tpu.dma_semaphore, #tpu.memory_space<semaphore_mem>>)
    %dma_wait3A_112 = arith.constant 0 : i32
    %dma_wait3A_113 = tpu.memref_slice %arg5[%dma_wait3A_112] : memref<51200xf32, #tpu.memory_space<vmem>> -> memref<12800xf32, #tpu.memory_space<vmem>>
    %dma_wait3A_114 = tpu.memref_slice %arg3[%add3A_63] : memref<1638400xf32, #tpu.memory_space<hbm>> -> memref<12800xf32, #tpu.memory_space<hbm>>
    %dma_wait3A_115 = tpu.memref_slice %arg3[%add3A_63] : memref<1638400xf32, #tpu.memory_space<hbm>> -> memref<12800xf32, #tpu.memory_space<hbm>>
    %dma_wait3A_116 = arith.constant 0 : i32
    %dma_wait3A_117 = tpu.memref_slice %arg5[%dma_wait3A_116] : memref<51200xf32, #tpu.memory_space<vmem>> -> memref<12800xf32, #tpu.memory_space<vmem>>
    tpu.wait_dma2 semaphore(%arg7 : memref<!tpu.dma_semaphore, #tpu.memory_space<semaphore_mem>>) src(%dma_wait3A_117 : memref<12800xf32, #tpu.memory_space<vmem>>) dst(%dma_wait3A_115 : memref<12800xf32, #tpu.memory_space<hbm>>)
    %dma_wait3A_118 = arith.constant 12800 : i32
    %dma_wait3A_119 = tpu.memref_slice %arg5[%dma_wait3A_118] : memref<51200xf32, #tpu.memory_space<vmem>> -> memref<12800xf32, #tpu.memory_space<vmem>>
    %dma_wait3A_120 = tpu.memref_slice %arg3[%add3A_77] : memref<1638400xf32, #tpu.memory_space<hbm>> -> memref<12800xf32, #tpu.memory_space<hbm>>
    %dma_wait3A_121 = tpu.memref_slice %arg3[%add3A_77] : memref<1638400xf32, #tpu.memory_space<hbm>> -> memref<12800xf32, #tpu.memory_space<hbm>>
    %dma_wait3A_122 = arith.constant 12800 : i32
    %dma_wait3A_123 = tpu.memref_slice %arg5[%dma_wait3A_122] : memref<51200xf32, #tpu.memory_space<vmem>> -> memref<12800xf32, #tpu.memory_space<vmem>>
    tpu.wait_dma2 semaphore(%arg7 : memref<!tpu.dma_semaphore, #tpu.memory_space<semaphore_mem>>) src(%dma_wait3A_123 : memref<12800xf32, #tpu.memory_space<vmem>>) dst(%dma_wait3A_121 : memref<12800xf32, #tpu.memory_space<hbm>>)
    %dma_wait3A_124 = arith.constant 25600 : i32
    %dma_wait3A_125 = tpu.memref_slice %arg5[%dma_wait3A_124] : memref<51200xf32, #tpu.memory_space<vmem>> -> memref<12800xf32, #tpu.memory_space<vmem>>
    %dma_wait3A_126 = tpu.memref_slice %arg3[%add3A_91] : memref<1638400xf32, #tpu.memory_space<hbm>> -> memref<12800xf32, #tpu.memory_space<hbm>>
    %dma_wait3A_127 = tpu.memref_slice %arg3[%add3A_91] : memref<1638400xf32, #tpu.memory_space<hbm>> -> memref<12800xf32, #tpu.memory_space<hbm>>
    %dma_wait3A_128 = arith.constant 25600 : i32
    %dma_wait3A_129 = tpu.memref_slice %arg5[%dma_wait3A_128] : memref<51200xf32, #tpu.memory_space<vmem>> -> memref<12800xf32, #tpu.memory_space<vmem>>
    tpu.wait_dma2 semaphore(%arg7 : memref<!tpu.dma_semaphore, #tpu.memory_space<semaphore_mem>>) src(%dma_wait3A_129 : memref<12800xf32, #tpu.memory_space<vmem>>) dst(%dma_wait3A_127 : memref<12800xf32, #tpu.memory_space<hbm>>)
    %dma_wait3A_130 = arith.constant 38400 : i32
    %dma_wait3A_131 = tpu.memref_slice %arg5[%dma_wait3A_130] : memref<51200xf32, #tpu.memory_space<vmem>> -> memref<12800xf32, #tpu.memory_space<vmem>>
    %dma_wait3A_132 = tpu.memref_slice %arg3[%add3A_105] : memref<1638400xf32, #tpu.memory_space<hbm>> -> memref<12800xf32, #tpu.memory_space<hbm>>
    %dma_wait3A_133 = tpu.memref_slice %arg3[%add3A_105] : memref<1638400xf32, #tpu.memory_space<hbm>> -> memref<12800xf32, #tpu.memory_space<hbm>>
    %dma_wait3A_134 = arith.constant 38400 : i32
    %dma_wait3A_135 = tpu.memref_slice %arg5[%dma_wait3A_134] : memref<51200xf32, #tpu.memory_space<vmem>> -> memref<12800xf32, #tpu.memory_space<vmem>>
    tpu.wait_dma2 semaphore(%arg7 : memref<!tpu.dma_semaphore, #tpu.memory_space<semaphore_mem>>) src(%dma_wait3A_135 : memref<12800xf32, #tpu.memory_space<vmem>>) dst(%dma_wait3A_133 : memref<12800xf32, #tpu.memory_space<hbm>>)
    return
  }
}

</mosaic_0001>

<sc_bundles>
// kernel: kernel.3.cloned.1.call-start
scs
__scs_entry_jumppad:
0x0: {  	(pc) =	sbr.rel $0x88, $3  }
0x1: {  	(tag) =	ssettag $0x0;
	lr =	simm.s32 $0x1  }
0x2: {  	[smem:$0x3FA0] =	sst lr;
	_ =	strace $0xD0000000  }
0x3: {  	_ = 	snop  }
0x4: {  	_ = 	snop  }
0x5: {  	_ = 	snop  }
0x6: {  	_ = 	snop  }
0x7: {  	_ = 	snop  }
__scs_overlays_trampoline_lowered:
0x8: {  	[smem:$0x3FAF] =	sst s0  }
0x9: {  	[smem:$0x3FB0] =	sst s1  }
0xa: {  	[smem:$0x3FB1] =	sst s2  }
0xb: {  	[smem:$0x3FB2] =	sst s3  }
0xc: {  	[smem:$0x3FB3] =	sst s4  }
0xd: {  	[smem:$0x3FB4] =	sst s5  }
0xe: {  	[smem:$0x3FB5] =	sst s6  }
0xf: {  	[smem:$0x3FB6] =	sst s7  }
0x10: {  	[smem:$0x3FB7] =	sst s8  }
0x11: {  	[smem:$0x3FB8] =	sst s9;
	s0 =	simm.s32 @!p0 $0x0  }
0x12: {  	s1 =	sld [smem:$0x3F9E];
	s0 =	simm.s32 @p0 $0x1  }
0x13: {  	[smem:$0x3FB9] =	sst s0;
	s0 =	simm.s32 @!p1 $0x0  }
0x14: {  	s2 =	sld [smem:$0x3F9D];
	s0 =	simm.s32 @p1 $0x1  }
0x15: {  	[smem:$0x3FBA] =	sst s0;
	s0 =	simm.s32 @!p2 $0x0  }
0x16: {  	s3 =	sld [smem:$0x3FDB];
	s0 =	simm.s32 @p2 $0x1  }
0x17: {  	s4 =	simm.s32 $0x1BF5;
	[smem:$0x3FBC] =	sst s0  }
0x18: {  	s0 =	sld [smem:$0x3F9F];
	_ =	swait.ge [sflag:s4], $0x0  }
0x19: {  	s7 =	sld [smem:$0x3FA0]  }
0x1a: {  	s8 =	sadd.s32 $0xFFFFE003, lr  }
0x1b: {  	s9 =	sadd.s32 $0xFFFFFEF7, lr;
	s5 =	simm.s32 $0xFFFFFFFF;
	p2 =	slt.u32 s8, $0xFFFFF086  }
0x1c: {  	p1 =	slt.u32 s9, $0xF7A;
	s5 =	simm.s32 @!p2 $0x0  }
0x1d: {  	s5 =	simm.s32 @p1 $0x1;
	p0 =	seq.s32 s7, s2  }
0x1e: {  	s7 =	smul.u32 @!p0 $0xF7A, s2;
	p2 =	seq.s32 @!p0 s5, $0x0  }
0x1f: {  	s9 =	smul.u32 $0xF7A, s1;
	s8 =	simm.s32 @!p0 $0x1BF5;
	p2 =	por !p2, p0  }
0x20: {  	[sflag:s8] =	ssyncset.s32 @!p0 $0xFFFFF086;
	s6 =	sadd.s32 @!p0 s3, s7;
	s7 =	simm.s32 @!p0 $0x108  }
0x21: {  	s3 =	sadd.s32 s3, s9;
	s6 =	sadd.s32 @!p0 $0x88, s6;
	s7 =	simm.s32 @p2 $0x1082  }
0x22: {  	[simem:s7], [sflag:s8] =	dma.local @!p0 [hbm:s6], $0xF7A  }
0x23: {  	s9 =	sor.u32 $0xD0000000, s2;
	s6 =	simm.s32 $0x108;
	_ =	swait.ge @!p0 [sflag:s8], $0x0  }
0x24: {  	s3 =	sadd.s32 $0x88, s3;
	s6 =	simm.s32 @!p1 $0x1082;
	[sflag:s4] =	ssyncset.s32 $0xFFFFF086  }
0x25: {  	[simem:s6], [sflag:s4] =	dma.local [hbm:s3], $0xF7A  }
0x26: {  	[smem:$0x3FA0] =	sst s1;
	(tag) =	ssettag s2;
	_ =	strace s9  }
0x27: {  	s1 =	sld [smem:$0x3FB0]  }
0x28: {  	s2 =	sld [smem:$0x3FB1]  }
0x29: {  	s4 =	sld [smem:$0x3FB3]  }
0x2a: {  	p0 =	seq.s32 s5, $0x0;
	s5 =	sld [smem:$0x3FB4]  }
0x2b: {  	s6 =	sld [smem:$0x3FB5]  }
0x2c: {  	s7 =	sld [smem:$0x3FB6]  }
0x2d: {  	s3 =	simm.s32 $0x108;
	s8 =	sld [smem:$0x3FB7]  }
0x2e: {  	s3 =	simm.s32 @!p0 $0x1082;
	s9 =	sld [smem:$0x3FB8]  }
0x2f: {  	lr =	sadd.s32 s0, s3;
	s0 =	sld [smem:$0x3FAF]  }
0x30: {  	s3 =	sld [smem:$0x3FB2]  }
0x31: {  	[smem:$0x3FBB] =	sst s10  }
0x32: {  	s10 =	sld [smem:$0x3FB9];
	_ =	sdelay $0x3  }
0x33: {  	p0 =	seq.s32 s10, $0x1;
	s10 =	sld [smem:$0x3FBB];
	_ =	sdelay $0x3  }
0x34: {  	[smem:$0x3FBB] =	sst s10  }
0x35: {  	s10 =	sld [smem:$0x3FBA];
	_ =	sdelay $0x3  }
0x36: {  	p1 =	seq.s32 s10, $0x1;
	s10 =	sld [smem:$0x3FBB];
	_ =	sdelay $0x3  }
0x37: {  	[smem:$0x3FBB] =	sst s10  }
0x38: {  	s10 =	sld [smem:$0x3FBC]  }
0x39: {  	_ = 	snop;
	(pc) =	sbr.ind lr, $3  }
0x3a: {  	_ = 	snop  }
0x3b: {  	_ = 	snop  }
0x3c: {  	p2 =	seq.s32 s10, $0x1;
	s10 =	sld [smem:$0x3FBB]  }
0x3d: {  	_ =	shalt  }
0x3e: {  	_ =	shalt  }
0x3f: {  	_ =	shalt  }
0x40: {  	_ =	shalt  }
0x41: {  	_ =	shalt  }
0x42: {  	_ =	shalt  }
0x43: {  	_ =	shalt  }
0x44: {  	_ =	shalt  }
0x45: {  	_ =	shalt  }
0x46: {  	_ =	shalt  }
0x47: {  	_ =	shalt  }
0x48: {  	_ =	shalt  }
0x49: {  	_ =	shalt  }
0x4a: {  	_ =	shalt  }
0x4b: {  	_ =	shalt  }
0x4c: {  	_ =	shalt  }
0x4d: {  	_ =	shalt  }
0x4e: {  	_ =	shalt  }
0x4f: {  	_ =	shalt  }
0x50: {  	_ =	shalt  }
0x51: {  	_ =	shalt  }
0x52: {  	_ =	shalt  }
0x53: {  	_ =	shalt  }
0x54: {  	_ =	shalt  }
0x55: {  	_ =	shalt  }
0x56: {  	_ =	shalt  }
0x57: {  	_ =	shalt  }
0x58: {  	_ =	shalt  }
0x59: {  	_ =	shalt  }
0x5a: {  	_ =	shalt  }
0x5b: {  	_ =	shalt  }
0x5c: {  	_ =	shalt  }
0x5d: {  	_ =	shalt  }
0x5e: {  	_ =	shalt  }
0x5f: {  	_ =	shalt  }
0x60: {  	_ =	shalt  }
0x61: {  	_ =	shalt  }
0x62: {  	_ =	shalt  }
0x63: {  	_ =	shalt  }
0x64: {  	_ =	shalt  }
0x65: {  	_ =	shalt  }
0x66: {  	_ =	shalt  }
0x67: {  	_ =	shalt  }
0x68: {  	_ =	shalt  }
0x69: {  	_ =	shalt  }
0x6a: {  	_ =	shalt  }
0x6b: {  	_ =	shalt  }
0x6c: {  	_ =	shalt  }
0x6d: {  	_ =	shalt  }
0x6e: {  	_ =	shalt  }
0x6f: {  	_ =	shalt  }
0x70: {  	_ =	shalt  }
0x71: {  	_ =	shalt  }
0x72: {  	_ =	shalt  }
0x73: {  	_ =	shalt  }
0x74: {  	_ =	shalt  }
0x75: {  	_ =	shalt  }
0x76: {  	_ =	shalt  }
0x77: {  	_ =	shalt  }
0x78: {  	_ =	shalt  }
0x79: {  	_ =	shalt  }
0x7a: {  	_ =	shalt  }
0x7b: {  	_ =	shalt  }
0x7c: {  	_ =	shalt  }
0x7d: {  	_ =	shalt  }
0x7e: {  	_ =	shalt  }
0x7f: {  	_ =	shalt  }
0x80: {  	_ =	shalt  }
0x81: {  	_ =	shalt  }
0x82: {  	_ =	shalt  }
0x83: {  	_ =	shalt  }
0x84: {  	_ =	shalt  }
0x85: {  	_ =	shalt  }
0x86: {  	_ =	shalt  }
0x87: {  	_ =	shalt  }
.Lfunc_end0:
.L_simem_size_0:
called_computation_lowered:
.L_overlay_start_0:
0x88: {  	s2 =	sld [smem:$0x3FD9]  }
0x89: {  	s3 =	sld [smem:$0x3FFE];
	_ =	sdelay $0x1  }
0x8a: {  	s1 =	srdreg.scid  }
0x8b: {  	s0 =	sand.u32 $0x1, s1  }
0x8c: {  	s18 =	sshll.u32 s0, $0xA;
	s2 =	sadd.s32 s3, s2  }
0x8d: {  	s2 =	sadd.s32 s2, s18  }
0x8e: {  	[smem:$0x3FC7] =	sst s2  }
0x8f: {  	_ = 	snop  }
0x90: {  	s2 =	sld [smem:$0x3FC9]  }
0x91: {  	s19 =	sld [smem:$0x3FD0];
	(tm) =	ssettm $0x1  }
0x92: {  	s4 =	sld [smem:$0x3FFB];
	_ =	sdelay $0x3  }
0x93: {  	_ =	strace s4  }
0x94: {  	s4 =	sld [smem:$0x3FFC];
	_ =	sdelay $0x3  }
0x95: {  	_ =	strace s4  }
0x96: {  	s4 =	sld [smem:$0x3FFD];
	_ =	sdelay $0x3  }
0x97: {  	_ =	strace s4  }
0x98: {  	_ =	strace $0x8FFFFFFF  }
0x99: {  	s20 =	sld [smem:$0x3FDB];
	_ =	sdelay $0x1  }
0x9a: {  	s5 =	simm.s32 $_scs_section_size  }
0x9b: {  	s6 =	simm.s32 $_size__tile_overlayer_lowered;
	s7 =	simm.s32 $_tile_overlayer_lowered  }
0x9c: {  	s23 =	simm.s32 $0x1BFF;
	s22 =	sshll.u32 s7, $0x1;
	s4 =	sadd.s32 s5, s20  }
0x9d: {  	s8 =	simm.s32 $0x0;
	s21 =	sshll.u32 s6, $0x1;
	s6 =	sadd.s32 s22, s4  }
0x9e: {  	[timem:s8], [sflag:s23] =	dma.local [hbm:s6], s21  }
0x9f: {  	_ =	swait.ge [sflag:s23], s21  }
0xa0: {  	s5 =	ssub.s32 $0x0, s21;
	[sflag:s23] =	ssyncset.done $0x0  }
0xa1: {  	[sflag:s23] =	ssyncadd.s32 s5;
	_ =	sdelay $0x1  }
0xa2: {  	s24 =	simm.s32 $0x1B8B  }
0xa3: {  	_ =	swait.ge [sflag:s24], $0x1  }
0xa4: {  	[sflag:s24] =	ssyncset.done $0x0  }
0xa5: {  	s25 =	simm.s32 $0x1B8E;
	[sflag:s24] =	ssyncadd.s32 $0xFFFFFFFF  }
0xa6: {  	s26 =	simm.s32 $execute0_lowered;
	[smem:$0x3FD2] =	sst s25  }
0xa7: {  	s5 =	sshll.u32 s26, $0x1;
	_ =	strace $0x80000046;
	[dreg:$0x1] =	wrdreg $0xFFFFFFFF  }
0xa8: {  	s28 =	simm.s32 $_size_execute0_lowered;
	s4 =	sadd.s32 s4, s5;
	[dreg:$0x0] =	wrdreg $0x0  }
0xa9: {  	s5 =	sshll.u32 s28, $0x1;
	[dreg:$0x2] =	wrdreg s4  }
0xaa: {  	[dreg:$0x3] =	wrdreg s5  }
0xab: {  	[dreg:$0x4] =	wrdreg $0xC0  }
0xac: {  	_ =	task [dreg:s8], $0x5FFFF  }
0xad: {  	[dreg:$0x1] =	wrdreg $0xFFFFFFFF  }
0xae: {  	[dreg:$0x0] =	wrdreg $0x60  }
0xaf: {  	[dreg:$0x2] =	wrdreg s2  }
0xb0: {  	[dreg:$0x3] =	wrdreg s19  }
0xb1: {  	[dreg:$0x4] =	wrdreg $0x9  }
0xb2: {  	_ =	task.clear_ibuf [dreg:s8], $0x5FFFF;
	_ =	strace $0x90000046  }
0xb3: {  	s29 =	simm.s32 $0x9;
	_ =	strace $0x80000048  }
0xb4: {  	_ =	swait.ge [sflag:s29], $0x1  }
0xb5: {  	[sflag:s29] =	ssyncadd.s32 $0xFFFFFFFF  }
0xb6: {  	_ =	strace $0x90000048  }
0xb7: {  	_ =	sfence  }
0xb8: {  	s30 =	sld [smem:$0x0];
	_ =	sdelay $0x2  }
0xb9: {  	s31 =	sshll.u32 s1, $0xD;
	s1 =	sshrl.u32 s1, $0x2  }
0xba: {  	s3 =	sand.u32 $0x4000, s31;
	s1 =	sadd.s32 s1, s30  }
0xbb: {  	s0 =	sor.u32 s3, s0;
	s1 =	sshll.u32 s1, $0x11  }
0xbc: {  	s0 =	sor.u32 s1, s0  }
0xbd: {  	s0 =	sadd.s32 $0x8F2B, s0  }
0xbe: {  	[sflag:s0] =	ssyncadd.remote.s32 $0x1  }
0xbf: {  	_ =	sfence.sel $0xFFFF  }
0xc0: {  	[dreg:$0x0] =	wrdreg $0xFFFFFFFF;
	(pc) =	sbr.abs _section_cstart, $3  }
0xc1: {  	[dreg:$0x1] =	wrdreg $0xFFFFFFFF  }
0xc2: {  	_ =	task.clear_ibuf [dreg:s8], $0x2FFFF;
	_ =	strace $0x9FFFFFFF  }
0xc3: {  	(tm) =	ssettm $0x7FFFFFFF  }
tec
execute0_lowered:
.L_overlay_start_1:
0x0: {  	(tag) =	ssettag $0x1  }
0x1: {  	s1 =	srdreg.scid;
	s2 =	rddreg [dreg:$0x0]  }
0x2: {  	s0 =	stileid.u32;
	s5 =	rddreg [dreg:$0x1]  }
0x3: {  	s3 =	simm.s32 $0x0;
	s9 =	simm.s32 $0x3200;
	s10 =	simm.s32 $0xC800  }
0x4: {  	s11 =	simm.s32 $0xFA00;
	s4 =	sand.u32 $0x1, s1;
	s30 =	sshll.u32 s0, $0x1  }
0x5: {  	s12 =	simm.s32 $0x6400;
	s13 =	simm.s32 $0x12C00;
	s1 =	sor.u32 s4, s30  }
0x6: {  	s14 =	simm.s32 $0x9600;
	s15 =	simm.s32 $0x15E00;
	s7 =	smul.u32 $0xC800, s1  }
0x7: {  	v0 =	vlaneseq.u32;
	s16 =	simm.s32 $0x1;
	s17 =	simm.s32 $0x2;
	s6 =	ssub.s32 $0x2, s4  }
0x8: {  	s18 =	simm.s32 $0x0;
	[smem:$0x7FF] =	sst s3;
	v0 =	vmul.u32 $0x80, v0;
	s8 =	sshrl.u32 s6, $0x1;
	v1 =	vmov s7  }
0x9: {  	s1 =	rddreg [dreg:$0x2];
	s8 =	ssub.s32 s6, s8;
	s31 =	sshrl.u32 s7, $0x3;
	v1 =	vshll.u32 v1, $0x7  }
0xa: {  	_ =	strace $0x80000047;
	s8 =	smax.u32 s8, $0x1;
	s4 =	sadd.s32 s5, s31;
	v0 =	vor.u32 v0, v1  }
0xb: {  	s5 =	sadd.s32 $0x640, s4;
	s6 =	sadd.s32 $0xC80, s4;
	s7 =	sadd.s32 $0x12C0, s4;
	v0 =	vor.u32 $0x7, v0  }
.LBB2_1:
0xc: {  	s20 =	simm.s32 $0x0  }
0xd: {  	s19 =	simm.s32 $0x40;
	v1 =	vmov v0;
	[tilespmem:s20+$0x0] =	vst v0  }
.LBB2_2:
0xe: {  	p0 =	sne.s32 s19, $0xC7C0  }
.Ltmp0:
0xf: {  	_ = 	snop;
	(pc) =	sbr.rel @p0 .LBB2_2-.Ltmp0, $3  }
0x10: {  	_ =	sdelay $0x1  }
0x11: {  	s20 =	sshra.s32 s19, $0x2;
	s19 =	sadd.s32 $0x40, s19;
	v1 =	vadd.s32 $0x800, v1  }
0x12: {  	[tilespmem:s20+$0x0] =	vst v1  }
0x13: {  	s19 =	simm.s32 $0x0;
	s20 =	simm.s32 $0x0  }
0x14: {  	v1 =	vadd.s32 $0x800, v1;
	[tilespmem:s10], [sflag:$0x1] =	stream.indirect.gather [hbm4b:s2+s9], $0x1, s19, s9, $0xb8;
	[tilespmem:$0x19000] =	vst v63  }
0x15: {  	s19 =	simm.s32 $0x40;
	[tilespmem:s20+$0x3200] =	vst v1  }
.LBB2_4:
0x16: {  	p0 =	sne.s32 s19, $0xC7C0  }
.Ltmp1:
0x17: {  	_ = 	snop;
	(pc) =	sbr.rel @p0 .LBB2_4-.Ltmp1, $3  }
0x18: {  	_ =	sdelay $0x1  }
0x19: {  	s20 =	sshra.s32 s19, $0x2;
	s19 =	sadd.s32 $0x40, s19;
	v1 =	vadd.s32 $0x800, v1  }
0x1a: {  	[tilespmem:s20+$0x3200] =	vst v1  }
0x1b: {  	[tilespmem:s11], [sflag:$0x1] =	stream.indirect.gather [hbm4b:s2+s9], $0x1, s9, s9, $0xb8;
	[tilespmem:$0x19000] =	vst v63  }
0x1c: {  	v1 =	vadd.s32 $0x800, v1;
	s20 =	simm.s32 $0x0  }
0x1d: {  	s19 =	simm.s32 $0x40;
	[tilespmem:s20+$0x6400] =	vst v1  }
.LBB2_6:
0x1e: {  	p0 =	sne.s32 s19, $0xC7C0  }
.Ltmp2:
0x1f: {  	_ = 	snop;
	(pc) =	sbr.rel @p0 .LBB2_6-.Ltmp2, $3  }
0x20: {  	_ =	sdelay $0x1  }
0x21: {  	s20 =	sshra.s32 s19, $0x2;
	s19 =	sadd.s32 $0x40, s19;
	v1 =	vadd.s32 $0x800, v1  }
0x22: {  	[tilespmem:s20+$0x6400] =	vst v1  }
0x23: {  	[tilespmem:s13], [sflag:$0x1] =	stream.indirect.gather [hbm4b:s2+s9], $0x1, s12, s9, $0xb8;
	[tilespmem:$0x19000] =	vst v63  }
0x24: {  	v1 =	vadd.s32 $0x800, v1;
	s20 =	simm.s32 $0x0  }
0x25: {  	s19 =	simm.s32 $0x40;
	[tilespmem:s20+$0x9600] =	vst v1  }
.LBB2_8:
0x26: {  	p0 =	sne.s32 s19, $0xC7C0  }
.Ltmp3:
0x27: {  	_ = 	snop;
	(pc) =	sbr.rel @p0 .LBB2_8-.Ltmp3, $3  }
0x28: {  	_ =	sdelay $0x1  }
0x29: {  	s20 =	sshra.s32 s19, $0x2;
	s19 =	sadd.s32 $0x40, s19;
	v1 =	vadd.s32 $0x800, v1  }
0x2a: {  	[tilespmem:s20+$0x9600] =	vst v1  }
0x2b: {  	[tilespmem:s15], [sflag:$0x1] =	stream.indirect.gather [hbm4b:s2+s9], $0x1, s14, s9, $0xb8;
	[tilespmem:$0x19000] =	vst v63  }
0x2c: {  	_ =	swait.ge [sflag:s16], $0x3200  }
0x2d: {  	[sflag:s16] =	ssyncset.done $0x0  }
0x2e: {  	[sflag:s16] =	ssyncadd.s32 $0xFFFFCE00  }
0x2f: {  	[hbm4b:s4+s3] =	stream.linear.scatter [tilespmem:s10], [sflag:$0x2], $0x3200, $0x38;
	[tilespmem:$0x19000] =	vst v63  }
0x30: {  	_ =	swait.ge [sflag:s16], $0x3200  }
0x31: {  	[sflag:s16] =	ssyncset.done $0x0  }
0x32: {  	[sflag:s16] =	ssyncadd.s32 $0xFFFFCE00  }
0x33: {  	[hbm4b:s5+s3] =	stream.linear.scatter [tilespmem:s11], [sflag:$0x2], $0x3200, $0x38;
	[tilespmem:$0x19000] =	vst v63  }
0x34: {  	_ =	swait.ge [sflag:s16], $0x3200  }
0x35: {  	[sflag:s16] =	ssyncset.done $0x0  }
0x36: {  	[sflag:s16] =	ssyncadd.s32 $0xFFFFCE00  }
0x37: {  	[hbm4b:s6+s3] =	stream.linear.scatter [tilespmem:s13], [sflag:$0x2], $0x3200, $0x38;
	[tilespmem:$0x19000] =	vst v63  }
0x38: {  	_ =	swait.ge [sflag:s16], $0x3200  }
0x39: {  	[sflag:s16] =	ssyncset.done $0x0  }
0x3a: {  	[sflag:s16] =	ssyncadd.s32 $0xFFFFCE00  }
0x3b: {  	[hbm4b:s7+s3] =	stream.linear.scatter [tilespmem:s15], [sflag:$0x2], $0x3200, $0x38;
	[tilespmem:$0x19000] =	vst v63  }
0x3c: {  	_ =	swait.ge [sflag:s17], $0x3200  }
0x3d: {  	[sflag:s17] =	ssyncset.done $0x0  }
0x3e: {  	[sflag:s17] =	ssyncadd.s32 $0xFFFFCE00  }
0x3f: {  	_ =	swait.ge [sflag:s17], $0x3200  }
0x40: {  	[sflag:s17] =	ssyncset.done $0x0  }
0x41: {  	s18 =	sadd.s32 $0x1, s18;
	[sflag:s17] =	ssyncadd.s32 $0xFFFFCE00  }
0x42: {  	p0 =	sne.s32 s18, s8;
	_ =	swait.ge [sflag:s17], $0x3200  }
.Ltmp4:
0x43: {  	[sflag:s17] =	ssyncset.done $0x0;
	(pc) =	sbr.rel @p0 .LBB2_1-.Ltmp4, $4  }
0x44: {  	[sflag:s17] =	ssyncadd.s32 $0xFFFFCE00  }
0x45: {  	_ =	swait.ge [sflag:s17], $0x3200  }
0x46: {  	[sflag:s17] =	ssyncset.done $0x0  }
0x47: {  	[sflag:s17] =	ssyncadd.s32 $0xFFFFCE00  }
0x48: {  	_ =	sfence.sel $0x180000  }
0x49: {  	[bflag:$0x0] =	sbarrier.arrive $0xFFFF  }
0x4a: {  	p0 =	sne.s32 s0, $0x0;
	_ =	strace $0x90000047  }
0x4b: {  	s0 =	sadd.s32 @!p0 $0x100000, s1;
	[bflag:$0x2] =	sbarrier.arrive $0xFFFF  }
0x4c: {  	[sflag:s0] =	ssyncadd.tile.s32 @!p0 $0x1;
	_ =	shalt  }
.Lfunc_end2:
_tile_overlayer_lowered:
.L_overlay_start_2:
0x4d: {  	(tag) =	ssettag $0x2  }
0x4e: {  	s0 =	rddreg [dreg:$0x0];
	s2 =	stileid.u32  }
0x4f: {  	s1 =	rddreg [dreg:$0x1];
	p0 =	sne.s32 s2, $0x0  }
0x50: {  	s3 =	rddreg [dreg:$0x2];
	[bflag:$0x3] =	sbarrier.arrive $0xFFFF;
	s2 =	simm.s32 @!p0 $0x1C03  }
0x51: {  	[timem:s3], [sflag:s2] =	dma.local @!p0 [hbm:s0], s1  }
0x52: {  	s0 =	simm.s32 @!p0 $0x3  }
0x53: {  	_ =	swait.ge @!p0 [sflag:s0], s1  }
0x54: {  	s1 =	ssub.s32 @!p0 $0x0, s1;
	[sflag:s0] =	ssyncset.done @!p0 $0x0  }
0x55: {  	[sflag:s0] =	ssyncadd.s32 @!p0 s1  }
0x56: {  	[bflag:$0x3] =	sbarrier.arrive $0xFFFF  }
0x57: {  	_ =	shalt  }

</sc_bundles>
